<compile_context>
chip_gen: v7x
topology: tpu7x:2x2x1
jax: 0.10.2.dev20260603
libtpu: 0.0.44.dev20260713+nightly
codegen_flags: <defaults>
</compile_context>

<pallas_src>
import functools

import jax
import jax.numpy as jnp
from jax import lax
from jax.experimental import pallas as pl
from jax.experimental.pallas import tpu as pltpu
from jax.experimental.pallas import tpu_sc as plsc

_N = 100000
_E = 200000
_H = 128

_NC = 2
_NS = 16
_NW = _NC * _NS
_R = (2 * _E) // 128
_RB = 96
_RL = _R - _NW * _RB
_RXF = _RL // 8
_RXT = _RL - 8 * _RXF
_NPAD = 100352
_ZS = _NPAD // _NS

_BN = 14336
_G = _NPAD // _BN


@functools.cache
def _sc_bincount():
    @functools.partial(
        pl.kernel,
        out_type=jax.ShapeDtypeStruct((_NC * _NPAD,), jnp.int32),
        mesh=plsc.VectorSubcoreMesh(core_axis_name="c", subcore_axis_name="s"),
        scratch_types=[
            pltpu.VMEM((_RB + 8, 128), jnp.int32),
            pltpu.VMEM((128,), jnp.int32),
            pltpu.VMEM((_ZS,), jnp.int32),
            pltpu.VMEM_SHARED((_NPAD,), jnp.int32),
            pltpu.SemaphoreType.DMA,
        ],
    )
    def sc_bincount(edges_hbm, out_hbm, idx_v, ones_v, zeros_v, counts_sh, sem):
        c = lax.axis_index("c")
        s = lax.axis_index("s")
        w = c * _NS + s

        pltpu.async_copy(edges_hbm.at[pl.ds(w * _RB, _RB)], idx_v.at[pl.ds(0, _RB)], sem)

        @pl.when(w < _RXF)
        def _():
            pltpu.async_copy(edges_hbm.at[pl.ds(_NW * _RB + 8 * w, 8)],
                             idx_v.at[pl.ds(_RB, 8)], sem)

        @pl.when(w == _RXF)
        def _():
            pltpu.async_copy(edges_hbm.at[pl.ds(_NW * _RB + 8 * _RXF, _RXT)],
                             idx_v.at[pl.ds(_RB, _RXT)], sem)

        o16 = jnp.ones((16,), jnp.int32)
        for i in range(8):
            ones_v[pl.ds(i * 16, 16)] = o16

        z16 = jnp.zeros((16,), jnp.int32)

        @plsc.parallel_loop(0, _ZS // 16)
        def _(i):
            zeros_v[pl.ds(i * 16, 16)] = z16

        nr = _RB + jnp.where(w < _RXF, 8, jnp.where(w == _RXF, _RXT, 0))

        pltpu.sync_copy(zeros_v, counts_sh.at[pl.ds(s * _ZS, _ZS)])
        pltpu.make_async_copy(edges_hbm.at[pl.ds(w * _RB, _RB)],
                              idx_v.at[pl.ds(0, _RB)], sem).wait()

        @pl.when(w < _RXF)
        def _():
            pltpu.make_async_copy(edges_hbm.at[pl.ds(_NW * _RB + 8 * w, 8)],
                                  idx_v.at[pl.ds(_RB, 8)], sem).wait()

        @pl.when(w == _RXF)
        def _():
            pltpu.make_async_copy(edges_hbm.at[pl.ds(_NW * _RB + 8 * _RXF, _RXT)],
                                  idx_v.at[pl.ds(_RB, _RXT)], sem).wait()

        plsc.subcore_barrier()

        @plsc.parallel_loop(0, nr, unroll=8)
        def _(j):
            pltpu.async_copy(ones_v, counts_sh.at[idx_v.at[j]], sem, add=True)

        def drain(j, carry):
            pltpu.make_async_copy(ones_v, counts_sh.at[idx_v.at[j]], sem).wait()
            return carry

        lax.fori_loop(0, nr, drain, 0)

        plsc.subcore_barrier()
        pltpu.sync_copy(counts_sh.at[pl.ds(s * _ZS, _ZS)],
                        out_hbm.at[pl.ds(c * _NPAD + s * _ZS, _ZS)])

    return sc_bincount


def _tc_body(xt_ref, w_ref, b_ref, t_ref, c0_ref, c1_ref, o_ref):
    deg = (c0_ref[...] + c1_ref[...]).reshape(1, _BN)
    d = jnp.minimum(deg >> 1, 9)
    iot = lax.broadcasted_iota(jnp.int32, (10, _BN), 0)
    oh_t = (iot == d).astype(jnp.float32)
    xd = lax.dot_general(oh_t, t_ref[...], (((0,), (0,)), ((), ())),
                         preferred_element_type=jnp.float32)
    h = lax.dot_general(xt_ref[...], w_ref[...], (((0,), (0,)), ((), ())),
                        preferred_element_type=jnp.float32)
    o_ref[...] = h + xd + b_ref[...]


def kernel(x, edge_idx, W_feat, b_feat, degree_table):
    edges = edge_idx.reshape(_R, 128)

    counts = _sc_bincount()(edges)
    xt = x.T
    b2 = b_feat.reshape(1, _H)

    out = pl.pallas_call(
        _tc_body,
        grid=(_G,),
        in_specs=[
            pl.BlockSpec((7, _BN), lambda i: (0, i)),
            pl.BlockSpec((7, _H), lambda i: (0, 0)),
            pl.BlockSpec((1, _H), lambda i: (0, 0)),
            pl.BlockSpec((10, _H), lambda i: (0, 0)),
            pl.BlockSpec((_BN,), lambda i: (i,)),
            pl.BlockSpec((_BN,), lambda i: (i + _G,)),
        ],
        out_specs=pl.BlockSpec((_BN, _H), lambda i: (i, 0)),
        out_shape=jax.ShapeDtypeStruct((_N, _H), jnp.float32),
    )(xt, W_feat, b2, degree_table, counts, counts)
    return out

# --- scband reference (transcript-rebuilt; emitter-appended) ---
"""Pipeline reference for scband-centrality-encoding-17935783428480 (READ-ONLY COPY).

The authoritative reference and input builder live on the scoring server;
editing this copy changes nothing except your own understanding.
"""

import jax, jax.numpy as jnp
import numpy as np

N = 100000
E = 200000
H = 128

def setup_inputs(seed: int = 0) -> dict:
    key = jax.random.key(seed)
    k1, k2, k3, k4 = jax.random.split(key, 4)
    x = jax.random.normal(k1, (N, 7), dtype=jnp.float32)
    edge_idx = jax.random.randint(k2, (2, E), 0, N, dtype=jnp.int32)
    W_feat = jax.random.normal(k3, (7, H), dtype=jnp.float32) * (1.0 / np.sqrt(7.0))
    b_feat = jnp.zeros((H,), dtype=jnp.float32)
    degree_table = jax.random.normal(k4, (10, H), dtype=jnp.float32) * 0.02
    return {"x": x, "edge_idx": edge_idx, "W_feat": W_feat, "b_feat": b_feat, "degree_table": degree_table}

def reference(x, edge_idx, W_feat, b_feat, degree_table):
    # x = self.feature_encoder(x)
    h = jnp.dot(x, W_feat) + b_feat
    # degree(edge_idx.view(-1), num_nodes=x.shape[0])  -> bincount of flattened endpoints
    deg = jnp.bincount(edge_idx.reshape(-1), length=x.shape[0])
    # .int() // 2
    d = deg.astype(jnp.int32) // 2
    # self.degree_encoder(x_degree)  -> embedding gather
    x_degree = jnp.take(degree_table, d, axis=0)
    return h + x_degree

if __name__ == "__main__":
    import jax
    _d = setup_inputs()
    print(jax.jit(kernel)(*tuple(_d.values())))

</pallas_src>

<mosaic_0001>
#map = affine_map<(d0, d1) -> (0, 0)>
#map1 = affine_map<(d0, d1) -> (0)>
module attributes {stable_mosaic.version = 14 : i64} {
  func.func @sc_bincount(%arg0: i32, %arg1: i32, %arg2: memref<3125x128xi32, #tpu.memory_space<hbm>>, %arg3: memref<200704xi32, #tpu.memory_space<hbm>>, %arg4: memref<104x128xi32, #tpu.memory_space<vmem>>, %arg5: memref<128xi32, #tpu.memory_space<vmem>>, %arg6: memref<6272xi32, #tpu.memory_space<vmem>>, %arg7: memref<100352xi32, #tpu.memory_space<vmem_shared>>, %arg8: memref<!tpu.dma_semaphore, #tpu.memory_space<semaphore_mem>>) attributes {dimension_semantics = [#tpu.dimension_semantics<core_parallel>, #tpu.dimension_semantics<subcore_parallel>], iteration_bounds = array<i64: 2, 16>, scalar_prefetch = 0 : i64, scratch_operands = 5 : i64, tpu.core_type = #tpu.core_type<sc_vector_subcore>, window_params = [{transform_indices = #map}, {transform_indices = #map1}]} {
    %mul3A = arith.constant 16 : i32
    %mul3A_0 = arith.muli %arg0, %mul3A : i32
    %add3A = arith.addi %mul3A_0, %arg1 : i32
    %mul3A_1 = arith.constant 96 : i32
    %mul3A_2 = arith.muli %add3A, %mul3A_1 : i32
    %dma_start3A = arith.constant 0 : i32
    %dma_start3A_3 = arith.constant 0 : i32
    %dma_start3A_4 = tpu.memref_slice %arg4[%dma_start3A, %dma_start3A_3] : memref<104x128xi32, #tpu.memory_space<vmem>> -> memref<96x128xi32, #tpu.memory_space<vmem>>
    %dma_start3A_5 = arith.constant 0 : i32
    %dma_start3A_6 = tpu.memref_slice %arg2[%mul3A_2, %dma_start3A_5] : memref<3125x128xi32, #tpu.memory_space<hbm>> -> memref<96x128xi32, #tpu.memory_space<hbm>>
    %dma_start3A_7 = arith.constant 0 : i32
    %dma_start3A_8 = arith.constant 0 : i32
    %dma_start3A_9 = tpu.memref_slice %arg4[%dma_start3A_7, %dma_start3A_8] : memref<104x128xi32, #tpu.memory_space<vmem>> -> memref<96x128xi32, #tpu.memory_space<vmem>>
    %dma_start3A_10 = arith.constant 0 : i32
    %dma_start3A_11 = tpu.memref_slice %arg2[%mul3A_2, %dma_start3A_10] : memref<3125x128xi32, #tpu.memory_space<hbm>> -> memref<96x128xi32, #tpu.memory_space<hbm>>
    tpu.enqueue_dma source(%dma_start3A_11 : memref<96x128xi32, #tpu.memory_space<hbm>>) target(%dma_start3A_9 : memref<96x128xi32, #tpu.memory_space<vmem>>) target_semaphore(%arg8 : memref<!tpu.dma_semaphore, #tpu.memory_space<semaphore_mem>>)
    %lt3A = arith.constant 6 : i32
    %lt3A_12 = arith.cmpi slt, %add3A, %lt3A : i32
    %convert_element_type3A = arith.extui %lt3A_12 : i1 to i32
    %cond3A = arith.constant 0 : i32
    %cond3A_13 = arith.cmpi ne, %convert_element_type3A, %cond3A : i32
    scf.if %cond3A_13 {
      %mul3A_105 = arith.constant 8 : i32
      %mul3A_106 = arith.muli %mul3A_105, %add3A : i32
      %add3A_107 = arith.constant 3072 : i32
      %add3A_108 = arith.addi %add3A_107, %mul3A_106 : i32
      %dma_start3A_109 = arith.constant 96 : i32
      %dma_start3A_110 = arith.constant 0 : i32
      %dma_start3A_111 = tpu.memref_slice %arg4[%dma_start3A_109, %dma_start3A_110] : memref<104x128xi32, #tpu.memory_space<vmem>> -> memref<8x128xi32, #tpu.memory_space<vmem>>
      %dma_start3A_112 = arith.constant 0 : i32
      %dma_start3A_113 = tpu.memref_slice %arg2[%add3A_108, %dma_start3A_112] : memref<3125x128xi32, #tpu.memory_space<hbm>> -> memref<8x128xi32, #tpu.memory_space<hbm>>
      %dma_start3A_114 = arith.constant 96 : i32
      %dma_start3A_115 = arith.constant 0 : i32
      %dma_start3A_116 = tpu.memref_slice %arg4[%dma_start3A_114, %dma_start3A_115] : memref<104x128xi32, #tpu.memory_space<vmem>> -> memref<8x128xi32, #tpu.memory_space<vmem>>
      %dma_start3A_117 = arith.constant 0 : i32
      %dma_start3A_118 = tpu.memref_slice %arg2[%add3A_108, %dma_start3A_117] : memref<3125x128xi32, #tpu.memory_space<hbm>> -> memref<8x128xi32, #tpu.memory_space<hbm>>
      tpu.enqueue_dma source(%dma_start3A_118 : memref<8x128xi32, #tpu.memory_space<hbm>>) target(%dma_start3A_116 : memref<8x128xi32, #tpu.memory_space<vmem>>) target_semaphore(%arg8 : memref<!tpu.dma_semaphore, #tpu.memory_space<semaphore_mem>>)
    } else {
    }
    %eq3A = arith.constant 6 : i32
    %eq3A_14 = arith.cmpi eq, %add3A, %eq3A : i32
    %convert_element_type3A_15 = arith.extui %eq3A_14 : i1 to i32
    %cond3A_16 = arith.constant 0 : i32
    %cond3A_17 = arith.cmpi ne, %convert_element_type3A_15, %cond3A_16 : i32
    scf.if %cond3A_17 {
      %dma_start3A_105 = arith.constant 96 : i32
      %dma_start3A_106 = arith.constant 0 : i32
      %dma_start3A_107 = tpu.memref_slice %arg4[%dma_start3A_105, %dma_start3A_106] : memref<104x128xi32, #tpu.memory_space<vmem>> -> memref<5x128xi32, #tpu.memory_space<vmem>>
      %dma_start3A_108 = arith.constant 3120 : i32
      %dma_start3A_109 = arith.constant 0 : i32
      %dma_start3A_110 = tpu.memref_slice %arg2[%dma_start3A_108, %dma_start3A_109] : memref<3125x128xi32, #tpu.memory_space<hbm>> -> memref<5x128xi32, #tpu.memory_space<hbm>>
      %dma_start3A_111 = arith.constant 96 : i32
      %dma_start3A_112 = arith.constant 0 : i32
      %dma_start3A_113 = tpu.memref_slice %arg4[%dma_start3A_111, %dma_start3A_112] : memref<104x128xi32, #tpu.memory_space<vmem>> -> memref<5x128xi32, #tpu.memory_space<vmem>>
      %dma_start3A_114 = arith.constant 3120 : i32
      %dma_start3A_115 = arith.constant 0 : i32
      %dma_start3A_116 = tpu.memref_slice %arg2[%dma_start3A_114, %dma_start3A_115] : memref<3125x128xi32, #tpu.memory_space<hbm>> -> memref<5x128xi32, #tpu.memory_space<hbm>>
      tpu.enqueue_dma source(%dma_start3A_116 : memref<5x128xi32, #tpu.memory_space<hbm>>) target(%dma_start3A_113 : memref<5x128xi32, #tpu.memory_space<vmem>>) target_semaphore(%arg8 : memref<!tpu.dma_semaphore, #tpu.memory_space<semaphore_mem>>)
    } else {
    }
    %broadcast_in_dim3A = arith.constant 1 : i32
    %broadcast_in_dim3A_18 = vector.broadcast %broadcast_in_dim3A : i32 to vector<16xi32>
    %swap3A = arith.constant 0 : index
    %swap3A_19 = tpu.vector_load %arg5[%swap3A] {strides = array<i32>} : memref<128xi32, #tpu.memory_space<vmem>>, vector<16xi32>,
    %swap3A_20 = vector.shape_cast %swap3A_19 : vector<16xi32> to vector<16xi32>
    %swap3A_21 = vector.shape_cast %broadcast_in_dim3A_18 : vector<16xi32> to vector<16xi32>
    tpu.vector_store %arg5[%swap3A], %swap3A_21 {strides = array<i32>} : memref<128xi32, #tpu.memory_space<vmem>>, vector<16xi32>,
    %swap3A_22 = arith.constant 16 : index
    %swap3A_23 = tpu.vector_load %arg5[%swap3A_22] {strides = array<i32>} : memref<128xi32, #tpu.memory_space<vmem>>, vector<16xi32>,
    %swap3A_24 = vector.shape_cast %swap3A_23 : vector<16xi32> to vector<16xi32>
    %swap3A_25 = vector.shape_cast %broadcast_in_dim3A_18 : vector<16xi32> to vector<16xi32>
    tpu.vector_store %arg5[%swap3A_22], %swap3A_25 {strides = array<i32>} : memref<128xi32, #tpu.memory_space<vmem>>, vector<16xi32>,
    %swap3A_26 = arith.constant 32 : index
    %swap3A_27 = tpu.vector_load %arg5[%swap3A_26] {strides = array<i32>} : memref<128xi32, #tpu.memory_space<vmem>>, vector<16xi32>,
    %swap3A_28 = vector.shape_cast %swap3A_27 : vector<16xi32> to vector<16xi32>
    %swap3A_29 = vector.shape_cast %broadcast_in_dim3A_18 : vector<16xi32> to vector<16xi32>
    tpu.vector_store %arg5[%swap3A_26], %swap3A_29 {strides = array<i32>} : memref<128xi32, #tpu.memory_space<vmem>>, vector<16xi32>,
    %swap3A_30 = arith.constant 48 : index
    %swap3A_31 = tpu.vector_load %arg5[%swap3A_30] {strides = array<i32>} : memref<128xi32, #tpu.memory_space<vmem>>, vector<16xi32>,
    %swap3A_32 = vector.shape_cast %swap3A_31 : vector<16xi32> to vector<16xi32>
    %swap3A_33 = vector.shape_cast %broadcast_in_dim3A_18 : vector<16xi32> to vector<16xi32>
    tpu.vector_store %arg5[%swap3A_30], %swap3A_33 {strides = array<i32>} : memref<128xi32, #tpu.memory_space<vmem>>, vector<16xi32>,
    %swap3A_34 = arith.constant 64 : index
    %swap3A_35 = tpu.vector_load %arg5[%swap3A_34] {strides = array<i32>} : memref<128xi32, #tpu.memory_space<vmem>>, vector<16xi32>,
    %swap3A_36 = vector.shape_cast %swap3A_35 : vector<16xi32> to vector<16xi32>
    %swap3A_37 = vector.shape_cast %broadcast_in_dim3A_18 : vector<16xi32> to vector<16xi32>
    tpu.vector_store %arg5[%swap3A_34], %swap3A_37 {strides = array<i32>} : memref<128xi32, #tpu.memory_space<vmem>>, vector<16xi32>,
    %swap3A_38 = arith.constant 80 : index
    %swap3A_39 = tpu.vector_load %arg5[%swap3A_38] {strides = array<i32>} : memref<128xi32, #tpu.memory_space<vmem>>, vector<16xi32>,
    %swap3A_40 = vector.shape_cast %swap3A_39 : vector<16xi32> to vector<16xi32>
    %swap3A_41 = vector.shape_cast %broadcast_in_dim3A_18 : vector<16xi32> to vector<16xi32>
    tpu.vector_store %arg5[%swap3A_38], %swap3A_41 {strides = array<i32>} : memref<128xi32, #tpu.memory_space<vmem>>, vector<16xi32>,
    %swap3A_42 = arith.constant 96 : index
    %swap3A_43 = tpu.vector_load %arg5[%swap3A_42] {strides = array<i32>} : memref<128xi32, #tpu.memory_space<vmem>>, vector<16xi32>,
    %swap3A_44 = vector.shape_cast %swap3A_43 : vector<16xi32> to vector<16xi32>
    %swap3A_45 = vector.shape_cast %broadcast_in_dim3A_18 : vector<16xi32> to vector<16xi32>
    tpu.vector_store %arg5[%swap3A_42], %swap3A_45 {strides = array<i32>} : memref<128xi32, #tpu.memory_space<vmem>>, vector<16xi32>,
    %swap3A_46 = arith.constant 112 : index
    %swap3A_47 = tpu.vector_load %arg5[%swap3A_46] {strides = array<i32>} : memref<128xi32, #tpu.memory_space<vmem>>, vector<16xi32>,
    %swap3A_48 = vector.shape_cast %swap3A_47 : vector<16xi32> to vector<16xi32>
    %swap3A_49 = vector.shape_cast %broadcast_in_dim3A_18 : vector<16xi32> to vector<16xi32>
    tpu.vector_store %arg5[%swap3A_46], %swap3A_49 {strides = array<i32>} : memref<128xi32, #tpu.memory_space<vmem>>, vector<16xi32>,
    %broadcast_in_dim3A_50 = arith.constant 0 : i32
    %broadcast_in_dim3A_51 = vector.broadcast %broadcast_in_dim3A_50 : i32 to vector<16xi32>
    %parallel_loop3A = arith.constant 0 : i32
    %parallel_loop3A_52 = arith.constant 392 : i32
    %parallel_loop3A_53 = arith.constant 1 : i32
    scf.for %parallel_loop3A_105 = %parallel_loop3A to %parallel_loop3A_52 step %parallel_loop3A_53  : i32 {
      %parallel_loop3A_106 = arith.constant 16 : i32
      %parallel_loop3A_107 = arith.muli %parallel_loop3A_105, %parallel_loop3A_106 : i32
      %parallel_loop3A_108 = arith.index_cast %parallel_loop3A_107 : i32 to index
      %parallel_loop3A_109 = tpu.vector_load %arg6[%parallel_loop3A_108] {strides = array<i32>} : memref<6272xi32, #tpu.memory_space<vmem>>, vector<16xi32>,
      %parallel_loop3A_110 = vector.shape_cast %parallel_loop3A_109 : vector<16xi32> to vector<16xi32>
      %parallel_loop3A_111 = vector.shape_cast %broadcast_in_dim3A_51 : vector<16xi32> to vector<16xi32>
      tpu.vector_store %arg6[%parallel_loop3A_108], %parallel_loop3A_111 {strides = array<i32>} : memref<6272xi32, #tpu.memory_space<vmem>>, vector<16xi32>,
    } {sc.loop_unroll_factor = 1 : i64, sc.parallel_access}
    %lt3A_54 = arith.constant 6 : i32
    %lt3A_55 = arith.cmpi slt, %add3A, %lt3A_54 : i32
    %eq3A_56 = arith.constant 6 : i32
    %eq3A_57 = arith.cmpi eq, %add3A, %eq3A_56 : i32
    %jit3A = arith.constant 5 : i32
    %jit3A_58 = arith.constant 0 : i32
    %select_n3A = arith.select %eq3A_57, %jit3A, %jit3A_58 : i32
    %jit3A_59 = arith.constant 8 : i32
    %select_n3A_60 = arith.select %lt3A_55, %jit3A_59, %select_n3A : i32
    %add3A_61 = arith.constant 96 : i32
    %add3A_62 = arith.addi %add3A_61, %select_n3A_60 : i32
    %mul3A_63 = arith.constant 6272 : i32
    %mul3A_64 = arith.muli %arg1, %mul3A_63 : i32
    "tpu.region"() ({
      %run_scoped3A = tpu.sem_alloc : memref<!tpu.dma_semaphore, #tpu.memory_space<semaphore_mem>>
      %dma_start3A_105 = tpu.memref_slice %arg7[%mul3A_64] : memref<100352xi32, #tpu.memory_space<vmem_shared>> -> memref<6272xi32, #tpu.memory_space<vmem_shared>>
      %dma_start3A_106 = tpu.memref_slice %arg7[%mul3A_64] : memref<100352xi32, #tpu.memory_space<vmem_shared>> -> memref<6272xi32, #tpu.memory_space<vmem_shared>>
      tpu.enqueue_dma source(%arg6 : memref<6272xi32, #tpu.memory_space<vmem>>) target(%dma_start3A_106 : memref<6272xi32, #tpu.memory_space<vmem_shared>>) target_semaphore(%run_scoped3A : memref<!tpu.dma_semaphore, #tpu.memory_space<semaphore_mem>>)
      %dma_wait3A_107 = tpu.memref_slice %arg7[%mul3A_64] : memref<100352xi32, #tpu.memory_space<vmem_shared>> -> memref<6272xi32, #tpu.memory_space<vmem_shared>>
      %dma_wait3A_108 = tpu.memref_slice %arg7[%mul3A_64] : memref<100352xi32, #tpu.memory_space<vmem_shared>> -> memref<6272xi32, #tpu.memory_space<vmem_shared>>
      tpu.wait_dma2 semaphore(%run_scoped3A : memref<!tpu.dma_semaphore, #tpu.memory_space<semaphore_mem>>) src(%arg6 : memref<6272xi32, #tpu.memory_space<vmem>>) dst(%dma_wait3A_108 : memref<6272xi32, #tpu.memory_space<vmem_shared>>)
      tpu.yield
    }) : () -> ()
    %mul3A_65 = arith.constant 96 : i32
    %mul3A_66 = arith.muli %add3A, %mul3A_65 : i32
    %dma_wait3A = arith.constant 0 : i32
    %dma_wait3A_67 = arith.constant 0 : i32
    %dma_wait3A_68 = tpu.memref_slice %arg4[%dma_wait3A, %dma_wait3A_67] : memref<104x128xi32, #tpu.memory_space<vmem>> -> memref<96x128xi32, #tpu.memory_space<vmem>>
    %dma_wait3A_69 = arith.constant 0 : i32
    %dma_wait3A_70 = tpu.memref_slice %arg2[%mul3A_66, %dma_wait3A_69] : memref<3125x128xi32, #tpu.memory_space<hbm>> -> memref<96x128xi32, #tpu.memory_space<hbm>>
    %dma_wait3A_71 = arith.constant 0 : i32
    %dma_wait3A_72 = arith.constant 0 : i32
    %dma_wait3A_73 = tpu.memref_slice %arg4[%dma_wait3A_71, %dma_wait3A_72] : memref<104x128xi32, #tpu.memory_space<vmem>> -> memref<96x128xi32, #tpu.memory_space<vmem>>
    %dma_wait3A_74 = arith.constant 0 : i32
    %dma_wait3A_75 = tpu.memref_slice %arg2[%mul3A_66, %dma_wait3A_74] : memref<3125x128xi32, #tpu.memory_space<hbm>> -> memref<96x128xi32, #tpu.memory_space<hbm>>
    tpu.wait_dma2 semaphore(%arg8 : memref<!tpu.dma_semaphore, #tpu.memory_space<semaphore_mem>>) src(%dma_wait3A_75 : memref<96x128xi32, #tpu.memory_space<hbm>>) dst(%dma_wait3A_73 : memref<96x128xi32, #tpu.memory_space<vmem>>)
    %lt3A_76 = arith.constant 6 : i32
    %lt3A_77 = arith.cmpi slt, %add3A, %lt3A_76 : i32
    %convert_element_type3A_78 = arith.extui %lt3A_77 : i1 to i32
    %cond3A_79 = arith.constant 0 : i32
    %cond3A_80 = arith.cmpi ne, %convert_element_type3A_78, %cond3A_79 : i32
    scf.if %cond3A_80 {
      %mul3A_105 = arith.constant 8 : i32
      %mul3A_106 = arith.muli %mul3A_105, %add3A : i32
      %add3A_107 = arith.constant 3072 : i32
      %add3A_108 = arith.addi %add3A_107, %mul3A_106 : i32
      %dma_wait3A_109 = arith.constant 96 : i32
      %dma_wait3A_110 = arith.constant 0 : i32
      %dma_wait3A_111 = tpu.memref_slice %arg4[%dma_wait3A_109, %dma_wait3A_110] : memref<104x128xi32, #tpu.memory_space<vmem>> -> memref<8x128xi32, #tpu.memory_space<vmem>>
      %dma_wait3A_112 = arith.constant 0 : i32
      %dma_wait3A_113 = tpu.memref_slice %arg2[%add3A_108, %dma_wait3A_112] : memref<3125x128xi32, #tpu.memory_space<hbm>> -> memref<8x128xi32, #tpu.memory_space<hbm>>
      %dma_wait3A_114 = arith.constant 96 : i32
      %dma_wait3A_115 = arith.constant 0 : i32
      %dma_wait3A_116 = tpu.memref_slice %arg4[%dma_wait3A_114, %dma_wait3A_115] : memref<104x128xi32, #tpu.memory_space<vmem>> -> memref<8x128xi32, #tpu.memory_space<vmem>>
      %dma_wait3A_117 = arith.constant 0 : i32
      %dma_wait3A_118 = tpu.memref_slice %arg2[%add3A_108, %dma_wait3A_117] : memref<3125x128xi32, #tpu.memory_space<hbm>> -> memref<8x128xi32, #tpu.memory_space<hbm>>
      tpu.wait_dma2 semaphore(%arg8 : memref<!tpu.dma_semaphore, #tpu.memory_space<semaphore_mem>>) src(%dma_wait3A_118 : memref<8x128xi32, #tpu.memory_space<hbm>>) dst(%dma_wait3A_116 : memref<8x128xi32, #tpu.memory_space<vmem>>)
    } else {
    }
    %eq3A_81 = arith.constant 6 : i32
    %eq3A_82 = arith.cmpi eq, %add3A, %eq3A_81 : i32
    %convert_element_type3A_83 = arith.extui %eq3A_82 : i1 to i32
    %cond3A_84 = arith.constant 0 : i32
    %cond3A_85 = arith.cmpi ne, %convert_element_type3A_83, %cond3A_84 : i32
    scf.if %cond3A_85 {
      %dma_wait3A_105 = arith.constant 96 : i32
      %dma_wait3A_106 = arith.constant 0 : i32
      %dma_wait3A_107 = tpu.memref_slice %arg4[%dma_wait3A_105, %dma_wait3A_106] : memref<104x128xi32, #tpu.memory_space<vmem>> -> memref<5x128xi32, #tpu.memory_space<vmem>>
      %dma_wait3A_108 = arith.constant 3120 : i32
      %dma_wait3A_109 = arith.constant 0 : i32
      %dma_wait3A_110 = tpu.memref_slice %arg2[%dma_wait3A_108, %dma_wait3A_109] : memref<3125x128xi32, #tpu.memory_space<hbm>> -> memref<5x128xi32, #tpu.memory_space<hbm>>
      %dma_wait3A_111 = arith.constant 96 : i32
      %dma_wait3A_112 = arith.constant 0 : i32
      %dma_wait3A_113 = tpu.memref_slice %arg4[%dma_wait3A_111, %dma_wait3A_112] : memref<104x128xi32, #tpu.memory_space<vmem>> -> memref<5x128xi32, #tpu.memory_space<vmem>>
      %dma_wait3A_114 = arith.constant 3120 : i32
      %dma_wait3A_115 = arith.constant 0 : i32
      %dma_wait3A_116 = tpu.memref_slice %arg2[%dma_wait3A_114, %dma_wait3A_115] : memref<3125x128xi32, #tpu.memory_space<hbm>> -> memref<5x128xi32, #tpu.memory_space<hbm>>
      tpu.wait_dma2 semaphore(%arg8 : memref<!tpu.dma_semaphore, #tpu.memory_space<semaphore_mem>>) src(%dma_wait3A_116 : memref<5x128xi32, #tpu.memory_space<hbm>>) dst(%dma_wait3A_113 : memref<5x128xi32, #tpu.memory_space<vmem>>)
    } else {
    }
    %barrier3A = arith.constant 0 : index
    tpu.barrier barrier_id(%barrier3A)
    %parallel_loop3A_86 = arith.constant 0 : i32
    %parallel_loop3A_87 = arith.constant 1 : i32
    scf.for %parallel_loop3A_105 = %parallel_loop3A_86 to %add3A_62 step %parallel_loop3A_87  : i32 {
      %parallel_loop3A_106 = arith.constant 0 : i32
      %parallel_loop3A_107 = tpu.memref_slice %arg4[%parallel_loop3A_105, %parallel_loop3A_106] : memref<104x128xi32, #tpu.memory_space<vmem>> -> memref<1x128xi32, #tpu.memory_space<vmem>>
      %parallel_loop3A_108 = tpu.memref_squeeze %parallel_loop3A_107 : memref<1x128xi32, #tpu.memory_space<vmem>> -> memref<128xi32, #tpu.memory_space<vmem>>
      %parallel_loop3A_109 = arith.constant 0 : i32
      %parallel_loop3A_110 = tpu.memref_slice %arg7[%parallel_loop3A_109] : memref<100352xi32, #tpu.memory_space<vmem_shared>> -> memref<100352xi32, #tpu.memory_space<vmem_shared>>
      tpu.enqueue_indirect_dma source(%arg5 : memref<128xi32, #tpu.memory_space<vmem>>) target(%parallel_loop3A_110 : memref<100352xi32, #tpu.memory_space<vmem_shared>>) offsets(%parallel_loop3A_108 : memref<128xi32, #tpu.memory_space<vmem>>) semaphore(%arg8 : memref<!tpu.dma_semaphore, #tpu.memory_space<semaphore_mem>>) {add = true}
    } {sc.loop_unroll_factor = 8 : i64, sc.parallel_access}
    %while3A = arith.constant 0 : i32
    %while3A_88 = arith.constant 0 : i32
    %while3A_89 = arith.subi %add3A_62, %while3A_88 : i32
    %while3A_90 = arith.addi %while3A_88, %while3A_89 : i32
    %while3A_91 = arith.constant 1 : i32
    %while3A_92 = arith.divsi %while3A_89, %while3A_91 : i32
    %while3A_93 = arith.muli %while3A_92, %while3A_91 : i32
    %while3A_94 = arith.addi %while3A_88, %while3A_93 : i32
    %while3A_95 = arith.constant 1 : i32
    scf.for %while3A_105 = %while3A_88 to %while3A_94 step %while3A_95  : i32 {
      %dma_wait3A_106 = arith.constant 0 : i32
      %dma_wait3A_107 = tpu.memref_slice %arg4[%while3A_105, %dma_wait3A_106] : memref<104x128xi32, #tpu.memory_space<vmem>> -> memref<1x128xi32, #tpu.memory_space<vmem>>
      %dma_wait3A_108 = tpu.memref_squeeze %dma_wait3A_107 : memref<1x128xi32, #tpu.memory_space<vmem>> -> memref<128xi32, #tpu.memory_space<vmem>>
      %dma_wait3A_109 = arith.constant 0 : i32
      %dma_wait3A_110 = tpu.memref_slice %arg7[%dma_wait3A_109] : memref<100352xi32, #tpu.memory_space<vmem_shared>> -> memref<100352xi32, #tpu.memory_space<vmem_shared>>
      tpu.wait_indirect_dma semaphore(%arg8 : memref<!tpu.dma_semaphore, #tpu.memory_space<semaphore_mem>>) src(%arg5 : memref<128xi32, #tpu.memory_space<vmem>>) dst(%dma_wait3A_110 : memref<100352xi32, #tpu.memory_space<vmem_shared>>)
    }
    %while3A_96 = arith.constant 1 : i32
    scf.for %while3A_105 = %while3A_94 to %while3A_90 step %while3A_96  : i32 {
      %dma_wait3A_106 = arith.constant 0 : i32
      %dma_wait3A_107 = tpu.memref_slice %arg4[%while3A_105, %dma_wait3A_106] : memref<104x128xi32, #tpu.memory_space<vmem>> -> memref<1x128xi32, #tpu.memory_space<vmem>>
      %dma_wait3A_108 = tpu.memref_squeeze %dma_wait3A_107 : memref<1x128xi32, #tpu.memory_space<vmem>> -> memref<128xi32, #tpu.memory_space<vmem>>
      %dma_wait3A_109 = arith.constant 0 : i32
      %dma_wait3A_110 = tpu.memref_slice %arg7[%dma_wait3A_109] : memref<100352xi32, #tpu.memory_space<vmem_shared>> -> memref<100352xi32, #tpu.memory_space<vmem_shared>>
      tpu.wait_indirect_dma semaphore(%arg8 : memref<!tpu.dma_semaphore, #tpu.memory_space<semaphore_mem>>) src(%arg5 : memref<128xi32, #tpu.memory_space<vmem>>) dst(%dma_wait3A_110 : memref<100352xi32, #tpu.memory_space<vmem_shared>>)
    }
    %barrier3A_97 = arith.constant 0 : index
    tpu.barrier barrier_id(%barrier3A_97)
    %mul3A_98 = arith.constant 6272 : i32
    %mul3A_99 = arith.muli %arg1, %mul3A_98 : i32
    %mul3A_100 = arith.constant 100352 : i32
    %mul3A_101 = arith.muli %arg0, %mul3A_100 : i32
    %mul3A_102 = arith.constant 6272 : i32
    %mul3A_103 = arith.muli %arg1, %mul3A_102 : i32
    %add3A_104 = arith.addi %mul3A_101, %mul3A_103 : i32
    "tpu.region"() ({
      %run_scoped3A = tpu.sem_alloc : memref<!tpu.dma_semaphore, #tpu.memory_space<semaphore_mem>>
      %dma_start3A_105 = tpu.memref_slice %arg3[%add3A_104] : memref<200704xi32, #tpu.memory_space<hbm>> -> memref<6272xi32, #tpu.memory_space<hbm>>
      %dma_start3A_106 = tpu.memref_slice %arg7[%mul3A_99] : memref<100352xi32, #tpu.memory_space<vmem_shared>> -> memref<6272xi32, #tpu.memory_space<vmem_shared>>
      tpu.enqueue_dma source(%dma_start3A_106 : memref<6272xi32, #tpu.memory_space<vmem_shared>>) target(%dma_start3A_105 : memref<6272xi32, #tpu.memory_space<hbm>>) target_semaphore(%run_scoped3A : memref<!tpu.dma_semaphore, #tpu.memory_space<semaphore_mem>>)
      %dma_wait3A_107 = tpu.memref_slice %arg3[%add3A_104] : memref<200704xi32, #tpu.memory_space<hbm>> -> memref<6272xi32, #tpu.memory_space<hbm>>
      %dma_wait3A_108 = tpu.memref_slice %arg7[%mul3A_99] : memref<100352xi32, #tpu.memory_space<vmem_shared>> -> memref<6272xi32, #tpu.memory_space<vmem_shared>>
      tpu.wait_dma2 semaphore(%run_scoped3A : memref<!tpu.dma_semaphore, #tpu.memory_space<semaphore_mem>>) src(%dma_wait3A_108 : memref<6272xi32, #tpu.memory_space<vmem_shared>>) dst(%dma_wait3A_107 : memref<6272xi32, #tpu.memory_space<hbm>>)
      tpu.yield
    }) : () -> ()
    return
  }
}

module attributes {stable_mosaic.version = 14 : i64} {
  func.func @_tc_body(%arg0: i32, %arg1: memref<7x14336xf32, #tpu.memory_space<vmem>>, %arg2: memref<7x128xf32, #tpu.memory_space<vmem>>, %arg3: memref<1x128xf32, #tpu.memory_space<vmem>>, %arg4: memref<10x128xf32, #tpu.memory_space<vmem>>, %arg5: memref<14336xi32, #tpu.memory_space<vmem>>, %arg6: memref<14336xi32, #tpu.memory_space<vmem>>, %arg7: memref<14336x128xf32, #tpu.memory_space<vmem>>) attributes {dimension_semantics = [#tpu.dimension_semantics<arbitrary>], iteration_bounds = array<i64: 7>, scalar_prefetch = 0 : i64, scratch_operands = 0 : i64, tpu.core_type = #tpu.core_type<tc>, window_params = [{transform_indices = @transform_0, window_bounds = array<i64: 7, 14336>}, {pipeline_mode = #tpu.pipeline_mode<synchronous>, transform_indices = @transform_1, window_bounds = array<i64: 7, 128>}, {pipeline_mode = #tpu.pipeline_mode<synchronous>, transform_indices = @transform_2, window_bounds = array<i64: 1, 128>}, {pipeline_mode = #tpu.pipeline_mode<synchronous>, transform_indices = @transform_3, window_bounds = array<i64: 10, 128>}, {transform_indices = @transform_4, window_bounds = array<i64: 14336>}, {transform_indices = @transform_5, window_bounds = array<i64: 14336>}, {transform_indices = @transform_6, window_bounds = array<i64: 14336, 128>}]} {
    %get3A = arith.constant 0 : index
    %get3A_0 = vector.load %arg5[%get3A] : memref<14336xi32, #tpu.memory_space<vmem>>, vector<14336xi32>
    %get3A_1 = arith.constant 0 : index
    %get3A_2 = vector.load %arg6[%get3A_1] : memref<14336xi32, #tpu.memory_space<vmem>>, vector<14336xi32>
    %add3A = arith.addi %get3A_0, %get3A_2 : vector<14336xi32>
    %reshape3A = vector.shape_cast %add3A : vector<14336xi32> to vector<1x14336xi32>
    %shift_right_arithmetic3A = arith.constant 1 : i32
    %shift_right_arithmetic3A_3 = vector.broadcast %shift_right_arithmetic3A : i32 to vector<1x14336xi32>
    %shift_right_arithmetic3A_4 = arith.shrsi %reshape3A, %shift_right_arithmetic3A_3 : vector<1x14336xi32>
    %min3A = arith.constant 9 : i32
    %min3A_5 = vector.broadcast %min3A : i32 to vector<1x14336xi32>
    %min3A_6 = arith.minsi %shift_right_arithmetic3A_4, %min3A_5 : vector<1x14336xi32>
    %iota3A = tpu.iota {dimensions = array<i32: 0>} : vector<10x14336xi32>
    %eq3A = vector.broadcast %min3A_6 : vector<1x14336xi32> to vector<10x14336xi32>
    %eq3A_7 = arith.cmpi eq, %iota3A, %eq3A : vector<10x14336xi32>
    %convert_element_type3A = arith.extui %eq3A_7 : vector<10x14336xi1> to vector<10x14336xi32>
    %convert_element_type3A_8 = arith.sitofp %convert_element_type3A : vector<10x14336xi32> to vector<10x14336xf32>
    %get3A_9 = arith.constant 0 : index
    %get3A_10 = arith.constant 0 : index
    %get3A_11 = vector.load %arg4[%get3A_9, %get3A_10] : memref<10x128xf32, #tpu.memory_space<vmem>>, vector<10x128xf32>
    %dot_general3A = arith.constant dense<0.000000e+00> : vector<14336x128xf32>
    %dot_general3A_12 = tpu.matmul %convert_element_type3A_8, %get3A_11, %dot_general3A {dimension_numbers = #tpu.dot_dimension_numbers<[0], [0], [1], [1], [0, 1, 1, 1], [], []>, transpose_lhs_hint = false} : vector<10x14336xf32>, vector<10x128xf32>, vector<14336x128xf32> -> vector<14336x128xf32>
    %get3A_13 = arith.constant 0 : index
    %get3A_14 = arith.constant 0 : index
    %get3A_15 = vector.load %arg1[%get3A_13, %get3A_14] : memref<7x14336xf32, #tpu.memory_space<vmem>>, vector<7x14336xf32>
    %get3A_16 = arith.constant 0 : index
    %get3A_17 = arith.constant 0 : index
    %get3A_18 = vector.load %arg2[%get3A_16, %get3A_17] : memref<7x128xf32, #tpu.memory_space<vmem>>, vector<7x128xf32>
    %dot_general3A_19 = arith.constant dense<0.000000e+00> : vector<14336x128xf32>
    %dot_general3A_20 = tpu.matmul %get3A_15, %get3A_18, %dot_general3A_19 {dimension_numbers = #tpu.dot_dimension_numbers<[0], [0], [1], [1], [0, 1, 1, 1], [], []>, transpose_lhs_hint = false} : vector<7x14336xf32>, vector<7x128xf32>, vector<14336x128xf32> -> vector<14336x128xf32>
    %add3A_21 = arith.addf %dot_general3A_20, %dot_general3A_12 : vector<14336x128xf32>
    %get3A_22 = arith.constant 0 : index
    %get3A_23 = arith.constant 0 : index
    %get3A_24 = vector.load %arg3[%get3A_22, %get3A_23] : memref<1x128xf32, #tpu.memory_space<vmem>>, vector<1x128xf32>
    %add3A_25 = vector.broadcast %get3A_24 : vector<1x128xf32> to vector<14336x128xf32>
    %add3A_26 = arith.addf %add3A_21, %add3A_25 : vector<14336x128xf32>
    %swap3A = arith.constant 0 : index
    %swap3A_27 = arith.constant 0 : index
    %swap3A_28 = vector.load %arg7[%swap3A, %swap3A_27] : memref<14336x128xf32, #tpu.memory_space<vmem>>, vector<14336x128xf32>
    tpu.vector_store %arg7[%swap3A, %swap3A_27], %add3A_26 {strides = array<i32>} : memref<14336x128xf32, #tpu.memory_space<vmem>>, vector<14336x128xf32>,
    return
  }
  func.func @transform_0(%arg0: i32) -> (i32, i32) {
    %c0_i32 = arith.constant 0 : i32
    %c0_i32_0 = arith.constant 0 : i32
    return %c0_i32, %arg0 : i32, i32
  }
  func.func @transform_1(%arg0: i32) -> (i32, i32) {
    %c0_i32 = arith.constant 0 : i32
    %c0_i32_0 = arith.constant 0 : i32
    %c0_i32_1 = arith.constant 0 : i32
    return %c0_i32, %c0_i32_0 : i32, i32
  }
  func.func @transform_2(%arg0: i32) -> (i32, i32) {
    %c0_i32 = arith.constant 0 : i32
    %c0_i32_0 = arith.constant 0 : i32
    %c0_i32_1 = arith.constant 0 : i32
    return %c0_i32, %c0_i32_0 : i32, i32
  }
  func.func @transform_3(%arg0: i32) -> (i32, i32) {
    %c0_i32 = arith.constant 0 : i32
    %c0_i32_0 = arith.constant 0 : i32
    %c0_i32_1 = arith.constant 0 : i32
    return %c0_i32, %c0_i32_0 : i32, i32
  }
  func.func @transform_4(%arg0: i32) -> i32 {
    %c0_i32 = arith.constant 0 : i32
    return %arg0 : i32
  }
  func.func @transform_5(%arg0: i32) -> i32 {
    %add3A = arith.constant 7 : i32
    %add3A_0 = arith.addi %arg0, %add3A : i32
    %c0_i32 = arith.constant 0 : i32
    return %add3A_0 : i32
  }
  func.func @transform_6(%arg0: i32) -> (i32, i32) {
    %c0_i32 = arith.constant 0 : i32
    %c0_i32_0 = arith.constant 0 : i32
    return %arg0, %c0_i32 : i32, i32
  }
}

</mosaic_0001>

<sc_bundles>
// kernel: kernel.4.cloned.1.call-start
scs
__scs_entry_jumppad:
0x0: {  	(pc) =	sbr.rel $0x88, $3  }
0x1: {  	(tag) =	ssettag $0x0;
	lr =	simm.s32 $0x1  }
0x2: {  	[smem:$0x3F9C] =	sst lr;
	_ =	strace $0xD0000000  }
0x3: {  	_ = 	snop  }
0x4: {  	_ = 	snop  }
0x5: {  	_ = 	snop  }
0x6: {  	_ = 	snop  }
0x7: {  	_ = 	snop  }
__scs_overlays_trampoline_lowered:
0x8: {  	[smem:$0x3FAB] =	sst s0  }
0x9: {  	[smem:$0x3FAC] =	sst s1  }
0xa: {  	[smem:$0x3FAD] =	sst s2  }
0xb: {  	[smem:$0x3FAE] =	sst s3  }
0xc: {  	[smem:$0x3FAF] =	sst s4  }
0xd: {  	[smem:$0x3FB0] =	sst s5  }
0xe: {  	[smem:$0x3FB1] =	sst s6  }
0xf: {  	[smem:$0x3FB2] =	sst s7  }
0x10: {  	[smem:$0x3FB3] =	sst s8  }
0x11: {  	[smem:$0x3FB4] =	sst s9;
	s0 =	simm.s32 @!p0 $0x0  }
0x12: {  	s1 =	sld [smem:$0x3F9A];
	s0 =	simm.s32 @p0 $0x1  }
0x13: {  	[smem:$0x3FB5] =	sst s0;
	s0 =	simm.s32 @!p1 $0x0  }
0x14: {  	s2 =	sld [smem:$0x3F99];
	s0 =	simm.s32 @p1 $0x1  }
0x15: {  	[smem:$0x3FB6] =	sst s0;
	s0 =	simm.s32 @!p2 $0x0  }
0x16: {  	s3 =	sld [smem:$0x3FDB];
	s0 =	simm.s32 @p2 $0x1  }
0x17: {  	s4 =	simm.s32 $0x1BF5;
	[smem:$0x3FB8] =	sst s0  }
0x18: {  	s0 =	sld [smem:$0x3F9B];
	_ =	swait.ge [sflag:s4], $0x0  }
0x19: {  	s7 =	sld [smem:$0x3F9C]  }
0x1a: {  	s8 =	sadd.s32 $0xFFFFE003, lr  }
0x1b: {  	s9 =	sadd.s32 $0xFFFFFEF7, lr;
	s5 =	simm.s32 $0xFFFFFFFF;
	p2 =	slt.u32 s8, $0xFFFFF086  }
0x1c: {  	p1 =	slt.u32 s9, $0xF7A;
	s5 =	simm.s32 @!p2 $0x0  }
0x1d: {  	s5 =	simm.s32 @p1 $0x1;
	p0 =	seq.s32 s7, s2  }
0x1e: {  	s7 =	smul.u32 @!p0 $0xF7A, s2;
	p2 =	seq.s32 @!p0 s5, $0x0  }
0x1f: {  	s9 =	smul.u32 $0xF7A, s1;
	s8 =	simm.s32 @!p0 $0x1BF5;
	p2 =	por !p2, p0  }
0x20: {  	[sflag:s8] =	ssyncset.s32 @!p0 $0xFFFFF086;
	s6 =	sadd.s32 @!p0 s3, s7;
	s7 =	simm.s32 @!p0 $0x108  }
0x21: {  	s3 =	sadd.s32 s3, s9;
	s6 =	sadd.s32 @!p0 $0x88, s6;
	s7 =	simm.s32 @p2 $0x1082  }
0x22: {  	[simem:s7], [sflag:s8] =	dma.local @!p0 [hbm:s6], $0xF7A  }
0x23: {  	s9 =	sor.u32 $0xD0000000, s2;
	s6 =	simm.s32 $0x108;
	_ =	swait.ge @!p0 [sflag:s8], $0x0  }
0x24: {  	s3 =	sadd.s32 $0x88, s3;
	s6 =	simm.s32 @!p1 $0x1082;
	[sflag:s4] =	ssyncset.s32 $0xFFFFF086  }
0x25: {  	[simem:s6], [sflag:s4] =	dma.local [hbm:s3], $0xF7A  }
0x26: {  	[smem:$0x3F9C] =	sst s1;
	(tag) =	ssettag s2;
	_ =	strace s9  }
0x27: {  	s1 =	sld [smem:$0x3FAC]  }
0x28: {  	s2 =	sld [smem:$0x3FAD]  }
0x29: {  	s4 =	sld [smem:$0x3FAF]  }
0x2a: {  	p0 =	seq.s32 s5, $0x0;
	s5 =	sld [smem:$0x3FB0]  }
0x2b: {  	s6 =	sld [smem:$0x3FB1]  }
0x2c: {  	s7 =	sld [smem:$0x3FB2]  }
0x2d: {  	s3 =	simm.s32 $0x108;
	s8 =	sld [smem:$0x3FB3]  }
0x2e: {  	s3 =	simm.s32 @!p0 $0x1082;
	s9 =	sld [smem:$0x3FB4]  }
0x2f: {  	lr =	sadd.s32 s0, s3;
	s0 =	sld [smem:$0x3FAB]  }
0x30: {  	s3 =	sld [smem:$0x3FAE]  }
0x31: {  	[smem:$0x3FB7] =	sst s10  }
0x32: {  	s10 =	sld [smem:$0x3FB5];
	_ =	sdelay $0x3  }
0x33: {  	p0 =	seq.s32 s10, $0x1;
	s10 =	sld [smem:$0x3FB7];
	_ =	sdelay $0x3  }
0x34: {  	[smem:$0x3FB7] =	sst s10  }
0x35: {  	s10 =	sld [smem:$0x3FB6];
	_ =	sdelay $0x3  }
0x36: {  	p1 =	seq.s32 s10, $0x1;
	s10 =	sld [smem:$0x3FB7];
	_ =	sdelay $0x3  }
0x37: {  	[smem:$0x3FB7] =	sst s10  }
0x38: {  	s10 =	sld [smem:$0x3FB8]  }
0x39: {  	_ = 	snop;
	(pc) =	sbr.ind lr, $3  }
0x3a: {  	_ = 	snop  }
0x3b: {  	_ = 	snop  }
0x3c: {  	p2 =	seq.s32 s10, $0x1;
	s10 =	sld [smem:$0x3FB7]  }
0x3d: {  	_ =	shalt  }
0x3e: {  	_ =	shalt  }
0x3f: {  	_ =	shalt  }
0x40: {  	_ =	shalt  }
0x41: {  	_ =	shalt  }
0x42: {  	_ =	shalt  }
0x43: {  	_ =	shalt  }
0x44: {  	_ =	shalt  }
0x45: {  	_ =	shalt  }
0x46: {  	_ =	shalt  }
0x47: {  	_ =	shalt  }
0x48: {  	_ =	shalt  }
0x49: {  	_ =	shalt  }
0x4a: {  	_ =	shalt  }
0x4b: {  	_ =	shalt  }
0x4c: {  	_ =	shalt  }
0x4d: {  	_ =	shalt  }
0x4e: {  	_ =	shalt  }
0x4f: {  	_ =	shalt  }
0x50: {  	_ =	shalt  }
0x51: {  	_ =	shalt  }
0x52: {  	_ =	shalt  }
0x53: {  	_ =	shalt  }
0x54: {  	_ =	shalt  }
0x55: {  	_ =	shalt  }
0x56: {  	_ =	shalt  }
0x57: {  	_ =	shalt  }
0x58: {  	_ =	shalt  }
0x59: {  	_ =	shalt  }
0x5a: {  	_ =	shalt  }
0x5b: {  	_ =	shalt  }
0x5c: {  	_ =	shalt  }
0x5d: {  	_ =	shalt  }
0x5e: {  	_ =	shalt  }
0x5f: {  	_ =	shalt  }
0x60: {  	_ =	shalt  }
0x61: {  	_ =	shalt  }
0x62: {  	_ =	shalt  }
0x63: {  	_ =	shalt  }
0x64: {  	_ =	shalt  }
0x65: {  	_ =	shalt  }
0x66: {  	_ =	shalt  }
0x67: {  	_ =	shalt  }
0x68: {  	_ =	shalt  }
0x69: {  	_ =	shalt  }
0x6a: {  	_ =	shalt  }
0x6b: {  	_ =	shalt  }
0x6c: {  	_ =	shalt  }
0x6d: {  	_ =	shalt  }
0x6e: {  	_ =	shalt  }
0x6f: {  	_ =	shalt  }
0x70: {  	_ =	shalt  }
0x71: {  	_ =	shalt  }
0x72: {  	_ =	shalt  }
0x73: {  	_ =	shalt  }
0x74: {  	_ =	shalt  }
0x75: {  	_ =	shalt  }
0x76: {  	_ =	shalt  }
0x77: {  	_ =	shalt  }
0x78: {  	_ =	shalt  }
0x79: {  	_ =	shalt  }
0x7a: {  	_ =	shalt  }
0x7b: {  	_ =	shalt  }
0x7c: {  	_ =	shalt  }
0x7d: {  	_ =	shalt  }
0x7e: {  	_ =	shalt  }
0x7f: {  	_ =	shalt  }
0x80: {  	_ =	shalt  }
0x81: {  	_ =	shalt  }
0x82: {  	_ =	shalt  }
0x83: {  	_ =	shalt  }
0x84: {  	_ =	shalt  }
0x85: {  	_ =	shalt  }
0x86: {  	_ =	shalt  }
0x87: {  	_ =	shalt  }
.Lfunc_end0:
.L_simem_size_0:
called_computation_lowered:
.L_overlay_start_0:
0x88: {  	s2 =	sld [smem:$0x3FD9]  }
0x89: {  	s3 =	sld [smem:$0x3FFE];
	_ =	sdelay $0x1  }
0x8a: {  	s1 =	srdreg.scid  }
0x8b: {  	s0 =	sand.u32 $0x1, s1  }
0x8c: {  	s17 =	sshll.u32 s0, $0xA;
	s2 =	sadd.s32 s3, s2  }
0x8d: {  	s2 =	sadd.s32 s2, s17  }
0x8e: {  	[smem:$0x3FC3] =	sst s2  }
0x8f: {  	_ = 	snop  }
0x90: {  	s2 =	sld [smem:$0x3FD0];
	(tm) =	ssettm $0x1  }
0x91: {  	s18 =	sld [smem:$0x3FFB];
	_ =	sdelay $0x3  }
0x92: {  	_ =	strace s18  }
0x93: {  	s3 =	sld [smem:$0x3FFC];
	_ =	sdelay $0x3  }
0x94: {  	_ =	strace s3  }
0x95: {  	s3 =	sld [smem:$0x3FFD];
	_ =	sdelay $0x3  }
0x96: {  	_ =	strace s3  }
0x97: {  	_ =	strace $0x8FFFFFFF  }
0x98: {  	s19 =	sld [smem:$0x3FDB];
	_ =	sdelay $0x1  }
0x99: {  	s4 =	simm.s32 $_scs_section_size  }
0x9a: {  	s5 =	simm.s32 $_size__tile_overlayer_lowered;
	s6 =	simm.s32 $_tile_overlayer_lowered  }
0x9b: {  	s22 =	simm.s32 $0x1BFF;
	s21 =	sshll.u32 s6, $0x1;
	s3 =	sadd.s32 s4, s19  }
0x9c: {  	s7 =	simm.s32 $0x0;
	s20 =	sshll.u32 s5, $0x1;
	s5 =	sadd.s32 s21, s3  }
0x9d: {  	[timem:s7], [sflag:s22] =	dma.local [hbm:s5], s20  }
0x9e: {  	_ =	swait.ge [sflag:s22], s20  }
0x9f: {  	s4 =	ssub.s32 $0x0, s20;
	[sflag:s22] =	ssyncset.done $0x0  }
0xa0: {  	[sflag:s22] =	ssyncadd.s32 s4;
	_ =	sdelay $0x1  }
0xa1: {  	s23 =	simm.s32 $0x1B8B  }
0xa2: {  	_ =	swait.ge [sflag:s23], $0x1  }
0xa3: {  	[sflag:s23] =	ssyncset.done $0x0  }
0xa4: {  	s25 =	simm.s32 $0x1B8E;
	s24 =	sld [smem:$0x3FFE];
	[sflag:s23] =	ssyncadd.s32 $0xFFFFFFFF  }
0xa5: {  	s26 =	simm.s32 $execute0_lowered;
	[smem:$0x3FD2] =	sst s25  }
0xa6: {  	s5 =	sshll.u32 s26, $0x1;
	_ =	strace $0x80000046;
	[dreg:$0x1] =	wrdreg $0xFFFFFFFF  }
0xa7: {  	s28 =	simm.s32 $_size_execute0_lowered;
	s3 =	sadd.s32 s3, s5;
	[dreg:$0x0] =	wrdreg $0x0  }
0xa8: {  	s5 =	sshll.u32 s28, $0x1;
	[dreg:$0x2] =	wrdreg s3  }
0xa9: {  	[dreg:$0x3] =	wrdreg s5  }
0xaa: {  	[dreg:$0x4] =	wrdreg $0xC0  }
0xab: {  	_ =	task [dreg:s7], $0x5FFFF  }
0xac: {  	[dreg:$0x1] =	wrdreg $0xFFFFFFFF  }
0xad: {  	[dreg:$0x0] =	wrdreg $0x60  }
0xae: {  	[dreg:$0x2] =	wrdreg s2  }
0xaf: {  	[dreg:$0x3] =	wrdreg s24  }
0xb0: {  	[dreg:$0x4] =	wrdreg $0x4D000  }
0xb1: {  	[dreg:$0x5] =	wrdreg $0x9  }
0xb2: {  	_ =	task.clear_ibuf [dreg:s7], $0x6FFFF;
	_ =	strace $0x90000046  }
0xb3: {  	s29 =	simm.s32 $0x9;
	_ =	strace $0x80000048  }
0xb4: {  	_ =	swait.ge [sflag:s29], $0x1  }
0xb5: {  	[sflag:s29] =	ssyncadd.s32 $0xFFFFFFFF  }
0xb6: {  	_ =	strace $0x90000048  }
0xb7: {  	_ =	sfence  }
0xb8: {  	s30 =	sld [smem:$0x0];
	_ =	sdelay $0x2  }
0xb9: {  	s31 =	sshll.u32 s1, $0xD;
	s1 =	sshrl.u32 s1, $0x2  }
0xba: {  	s3 =	sand.u32 $0x4000, s31;
	s1 =	sadd.s32 s1, s30  }
0xbb: {  	s0 =	sor.u32 s3, s0;
	s1 =	sshll.u32 s1, $0x11  }
0xbc: {  	s0 =	sor.u32 s1, s0  }
0xbd: {  	s0 =	sadd.s32 $0x8F2B, s0  }
0xbe: {  	[sflag:s0] =	ssyncadd.remote.s32 $0x1  }
0xbf: {  	_ =	sfence.sel $0xFFFF  }
0xc0: {  	[dreg:$0x0] =	wrdreg $0xFFFFFFFF;
	(pc) =	sbr.abs _section_cstart, $3  }
0xc1: {  	[dreg:$0x1] =	wrdreg $0xFFFFFFFF  }
0xc2: {  	_ =	task.clear_ibuf [dreg:s7], $0x2FFFF;
	_ =	strace $0x9FFFFFFF  }
0xc3: {  	(tm) =	ssettm $0x7FFFFFFF  }
tec
execute0_lowered:
.L_overlay_start_1:
0x0: {  	(tag) =	ssettag $0x1  }
0x1: {  	s6 =	rddreg [dreg:$0x0]  }
0x2: {  	s4 =	rddreg [dreg:$0x1]  }
0x3: {  	s2 =	rddreg [dreg:$0x2]  }
0x4: {  	s0 =	rddreg [dreg:$0x3]  }
0x5: {  	s5 =	srdreg.scid;
	s1 =	stileid.u32;
	s3 =	simm.s32 $0x0  }
0x6: {  	s13 =	simm.s32 $0x80;
	s14 =	simm.s32 $0x3400;
	s15 =	simm.s32 $0x0  }
0x7: {  	s5 =	sand.u32 $0x1, s5;
	s7 =	smul.u32 $0x1880, s1;
	[smem:$0x7FF] =	sst s3  }
0x8: {  	s12 =	sshll.u32 s1, $0x7;
	s8 =	smul.u32 $0x18800, s5;
	s9 =	sshll.u32 s5, $0x4  }
0x9: {  	_ =	strace $0x80000047;
	s5 =	ssub.s32 $0x2, s5;
	s10 =	sor.u32 s1, s9  }
0xa: {  	s31 =	sshrl.u32 s5, $0x1;
	s8 =	sadd.s32 s7, s8;
	s11 =	smul.u32 $0x600, s10  }
0xb: {  	s9 =	ssub.s32 s5, s31;
	s5 =	sadd.s32 $0xC300, s6;
	s7 =	sadd.s32 s7, s2  }
0xc: {  	p0 =	sgt.u32 s10, $0x5;
	p3 =	slt.u32 s10, $0x6;
	s8 =	sshrl.u32 s8, $0x3  }
0xd: {  	s9 =	smax.u32 s9, $0x1;
	p2 =	sne.s32 @p0 s10, $0x6;
	s10 =	simm.s32 $0x3480  }
0xe: {  	s8 =	sadd.s32 s8, s4;
	s4 =	sadd.s32 s6, s11;
	s6 =	sadd.s32 s12, s6  }
0xf: {  	p1 =	por p2, !p0;
	p2 =	por !p2, !p0;
	s11 =	simm.s32 $0x2  }
0x10: {  	v0 =	vimm.s32 $0x1;
	v1 =	vimm.s32 $0x0;
	s12 =	simm.s32 $0x1;
	s6 =	sadd.s32 $0xC000, s6;
	s8 =	sadd.s32 $0xE00, s8  }
.LBB2_1:
0x11: {  	[tilespmem:s3], [sflag:$0x1] =	stream.linear.gather [hbm4b:s4+s3], $0x3000, $0x38;
	[tilespmem:$0x6580] =	vst v63  }
0x12: {  	s16 =	simm.s32 @!p1 $0x0;
	s17 =	simm.s32 @!p1 $0x3000  }
0x13: {  	[tilespmem:s17], [sflag:$0x1] =	stream.linear.gather @!p1 [hbm4b:s5+s16], $0x280, $0x38;
	[tilespmem:$0x6580] =	vst v63  }
0x14: {  	s16 =	simm.s32 @!p0 $0x0;
	s17 =	simm.s32 @!p0 $0x3000  }
0x15: {  	[tilespmem:s17], [sflag:$0x1] =	stream.linear.gather @!p0 [hbm4b:s6+s16], $0x400, $0x38;
	[tilespmem:$0x6580] =	vst v63  }
0x16: {  	[tilespmem:$0x3400] =	vst v0  }
0x17: {  	[tilespmem:$0x3410] =	vst v0  }
0x18: {  	[tilespmem:$0x3420] =	vst v0  }
0x19: {  	[tilespmem:$0x3430] =	vst v0  }
0x1a: {  	[tilespmem:$0x3440] =	vst v0  }
0x1b: {  	p5 =	por @p0 $0x0, $0x0;
	p4 =	por @!p1 $0x1, $0x1;
	[tilespmem:$0x3450] =	vst v0  }
0x1c: {  	p4 =	por @!p2 p5, p5;
	p5 =	por @!p0 $0x0, $0x0;
	[tilespmem:$0x3460] =	vst v0  }
0x1d: {  	p4 =	por @!p0 p5, p5;
	s16 =	simm.s32 $0x40;
	s17 =	simm.s32 $0x0;
	[tilespmem:$0x3470] =	vst v0  }
.LBB2_2:
0x1e: {  	p5 =	sne.s32 s16, $0x61C0;
	[tilespmem:s17+$0x3480] =	vst v1;
	s17 =	smov.u32 s16;
	s16 =	sadd.s32 $0x40, s16  }
.Ltmp0:
0x1f: {  	(pc) =	sbr.rel @p5 .LBB2_2-.Ltmp0, $2  }
0x20: {  	_ =	sdelay $0x2  }
0x21: {  	s17 =	sshra.s32 s17, $0x2  }
0x22: {  	[tilespmem:s17+$0x3480] =	vst v1  }
0x23: {  	[spmem:s7] =	stream.linear.scatter [tilespmem:s10], [sflag:$0x2], $0x1880, $0x38;
	[tilespmem:$0x6580] =	vst v63  }
0x24: {  	_ =	swait.ge [sflag:s11], $0x1880  }
0x25: {  	[sflag:s11] =	ssyncset.done $0x0  }
0x26: {  	[sflag:s11] =	ssyncadd.s32 $0xFFFFE780  }
0x27: {  	_ =	swait.ge [sflag:s12], $0x3000  }
0x28: {  	[sflag:s12] =	ssyncset.done $0x0  }
0x29: {  	s16 =	simm.s32 @!p0 $0x1;
	[sflag:s12] =	ssyncadd.s32 $0xFFFFD000  }
0x2a: {  	_ =	swait.ge @!p0 [sflag:s16], $0x400  }
0x2b: {  	[sflag:s16] =	ssyncset.done @!p0 $0x0  }
0x2c: {  	s17 =	simm.s32 @p4 $0x1;
	[sflag:s16] =	ssyncadd.s32 @!p0 $0xFFFFFC00  }
0x2d: {  	_ =	swait.ge @p4 [sflag:s17], $0x280  }
0x2e: {  	[sflag:s17] =	ssyncset.done @p4 $0x0  }
0x2f: {  	[sflag:s17] =	ssyncadd.s32 @p4 $0xFFFFFD80  }
0x30: {  	s19 =	simm.s32 $0x0;
	s16 =	simm.s32 $0x65;
	[bflag:$0x0] =	sbarrier.arrive $0xFFFF  }
0x31: {  	[spmem:s2] =	stream.indirect.scatter.add.s32 [tilespmem:s14], [sflag:$0x1], $0x1, s19, s13, $0xb8;
	[tilespmem:$0x6580] =	vst v63  }
0x32: {  	s25 =	simm.s32 $0x80;
	s16 =	simm.s32 @!p4 $0x60  }
0x33: {  	[spmem:s2] =	stream.indirect.scatter.add.s32 [tilespmem:s14], [sflag:$0x1], $0x1, s25, s13, $0xb8;
	[tilespmem:$0x6580] =	vst v63  }
0x34: {  	s26 =	simm.s32 $0x100;
	s16 =	simm.s32 @p3 $0x68  }
0x35: {  	[spmem:s2] =	stream.indirect.scatter.add.s32 [tilespmem:s14], [sflag:$0x1], $0x1, s26, s13, $0xb8;
	[tilespmem:$0x6580] =	vst v63  }
0x36: {  	s28 =	simm.s32 $0x180;
	s17 =	sand.u32 $0x68, s16  }
0x37: {  	[spmem:s2] =	stream.indirect.scatter.add.s32 [tilespmem:s14], [sflag:$0x1], $0x1, s28, s13, $0xb8;
	[tilespmem:$0x6580] =	vst v63  }
0x38: {  	s29 =	simm.s32 $0x200;
	p4 =	sgt.u32 s17, $0x8  }
0x39: {  	[spmem:s2] =	stream.indirect.scatter.add.s32 [tilespmem:s14], [sflag:$0x1], $0x1, s29, s13, $0xb8;
	[tilespmem:$0x6580] =	vst v63  }
.Ltmp1:
0x3a: {  	_ = 	snop;
	(pc) =	sbr.rel @!p4 .LBB2_5-.Ltmp1, $4  }
0x3b: {  	s18 =	simm.s32 $0x380;
	s30 =	simm.s32 $0x280  }
0x3c: {  	[spmem:s2] =	stream.indirect.scatter.add.s32 [tilespmem:s14], [sflag:$0x1], $0x1, s30, s13, $0xb8;
	[tilespmem:$0x6580] =	vst v63  }
0x3d: {  	s31 =	simm.s32 $0x300;
	s20 =	simm.s32 $0x780;
	s19 =	simm.s32 $0x8  }
0x3e: {  	[spmem:s2] =	stream.indirect.scatter.add.s32 [tilespmem:s14], [sflag:$0x1], $0x1, s31, s13, $0xb8;
	[tilespmem:$0x6580] =	vst v63  }
.LBB2_4:
0x3f: {  	[spmem:s2] =	stream.indirect.scatter.add.s32 [tilespmem:s14], [sflag:$0x1], $0x1, s18, s13, $0xb8;
	[tilespmem:$0x6580] =	vst v63  }
0x40: {  	s21 =	sadd.s32 $0xFFFFFC80, s20;
	s19 =	sadd.s32 $0x8, s19;
	s18 =	smov.u32 s20  }
0x41: {  	[spmem:s2] =	stream.indirect.scatter.add.s32 [tilespmem:s14], [sflag:$0x1], $0x1, s21, s13, $0xb8;
	[tilespmem:$0x6580] =	vst v63  }
0x42: {  	p4 =	slt.u32 s19, s17;
	s21 =	sadd.s32 $0xFFFFFD00, s20  }
0x43: {  	[spmem:s2] =	stream.indirect.scatter.add.s32 [tilespmem:s14], [sflag:$0x1], $0x1, s21, s13, $0xb8;
	[tilespmem:$0x6580] =	vst v63  }
0x44: {  	s21 =	sadd.s32 $0xFFFFFD80, s20  }
0x45: {  	[spmem:s2] =	stream.indirect.scatter.add.s32 [tilespmem:s14], [sflag:$0x1], $0x1, s21, s13, $0xb8;
	[tilespmem:$0x6580] =	vst v63  }
0x46: {  	s21 =	sadd.s32 $0xFFFFFE00, s20  }
0x47: {  	[spmem:s2] =	stream.indirect.scatter.add.s32 [tilespmem:s14], [sflag:$0x1], $0x1, s21, s13, $0xb8;
	[tilespmem:$0x6580] =	vst v63  }
0x48: {  	s21 =	sadd.s32 $0xFFFFFE80, s20  }
0x49: {  	[spmem:s2] =	stream.indirect.scatter.add.s32 [tilespmem:s14], [sflag:$0x1], $0x1, s21, s13, $0xb8;
	[tilespmem:$0x6580] =	vst v63  }
.Ltmp2:
0x4a: {  	s21 =	sadd.s32 $0xFFFFFF00, s20;
	(pc) =	sbr.rel @p4 .LBB2_4-.Ltmp2, $4  }
0x4b: {  	[spmem:s2] =	stream.indirect.scatter.add.s32 [tilespmem:s14], [sflag:$0x1], $0x1, s21, s13, $0xb8;
	[tilespmem:$0x6580] =	vst v63  }
0x4c: {  	s21 =	sadd.s32 $0xFFFFFF80, s20  }
0x4d: {  	[spmem:s2] =	stream.indirect.scatter.add.s32 [tilespmem:s14], [sflag:$0x1], $0x1, s21, s13, $0xb8;
	[tilespmem:$0x6580] =	vst v63  }
0x4e: {  	s20 =	sadd.s32 $0x400, s20  }
.LBB2_5:
0x4f: {  	p4 =	sne.s32 s17, s16  }
.Ltmp3:
0x50: {  	_ = 	snop;
	(pc) =	sbr.rel @!p4 .LBB2_8-.Ltmp3, $2  }
0x51: {  	_ =	sdelay $0x2  }
0x52: {  	[spmem:s2] =	stream.indirect.scatter.add.s32 [tilespmem:s14], [sflag:$0x1], $0x1, s18, s13, $0xb8;
	[tilespmem:$0x6580] =	vst v63  }
0x53: {  	s18 =	sshll.u32 s16, $0x7  }
0x54: {  	s18 =	sand.u32 $0x3C00, s18  }
.LBB2_7:
0x55: {  	s17 =	sadd.s32 $0x1, s17  }
0x56: {  	p4 =	slt.u32 s17, s16  }
.Ltmp4:
0x57: {  	_ = 	snop;
	(pc) =	sbr.rel @p4 .LBB2_7-.Ltmp4, $3  }
0x58: {  	_ =	sdelay $0x1  }
0x59: {  	[spmem:s2] =	stream.indirect.scatter.add.s32 [tilespmem:s14], [sflag:$0x1], $0x1, s18, s13, $0xb8;
	[tilespmem:$0x6580] =	vst v63  }
0x5a: {  	s18 =	sadd.s32 $0x80, s18  }
.LBB2_8:
0x5b: {  	p4 =	sne.s32 s16, $0x1  }
.Ltmp5:
0x5c: {  	_ = 	snop;
	(pc) =	sbr.rel @p4 .LBB2_8-.Ltmp5, $4  }
0x5d: {  	_ = 	snop  }
0x5e: {  	_ =	swait.ge [sflag:s12], $0x80  }
0x5f: {  	[sflag:s12] =	ssyncset.done $0x0  }
0x60: {  	s16 =	sadd.s32 $0xFFFFFFFF, s16;
	[sflag:s12] =	ssyncadd.s32 $0xFFFFFF80  }
0x61: {  	s15 =	sadd.s32 $0x1, s15  }
0x62: {  	s16 =	sshll.u32 s1, $0x6;
	[bflag:$0x0] =	sbarrier.arrive $0xFFFF;
	p4 =	sne.s32 s15, s9  }
.Ltmp6:
0x63: {  	s17 =	sshrl.u32 s7, $0x3;
	s16 =	sor.u32 $0x1C02, s16;
	(pc) =	sbr.rel @p4 .LBB2_1-.Ltmp6, $4  }
0x64: {  	[hbm:s8], [sflag:s16] =	dma.local [spmem:s17], $0x310  }
0x65: {  	_ =	swait.ge [sflag:s11], $0x310  }
0x66: {  	[sflag:s11] =	ssyncset.done $0x0  }
0x67: {  	[sflag:s11] =	ssyncadd.s32 $0xFFFFFCF0  }
0x68: {  	_ =	sfence.sel $0x180000  }
0x69: {  	[bflag:$0x0] =	sbarrier.arrive $0xFFFF  }
0x6a: {  	p0 =	sne.s32 s1, $0x0;
	_ =	strace $0x90000047  }
0x6b: {  	s0 =	sadd.s32 @!p0 $0x100000, s0;
	[bflag:$0x2] =	sbarrier.arrive $0xFFFF  }
0x6c: {  	[sflag:s0] =	ssyncadd.tile.s32 @!p0 $0x1;
	_ =	shalt  }
.Lfunc_end2:
_tile_overlayer_lowered:
.L_overlay_start_2:
0x6d: {  	(tag) =	ssettag $0x2  }
0x6e: {  	s0 =	rddreg [dreg:$0x0];
	s2 =	stileid.u32  }
0x6f: {  	s1 =	rddreg [dreg:$0x1];
	p0 =	sne.s32 s2, $0x0  }
0x70: {  	s3 =	rddreg [dreg:$0x2];
	[bflag:$0x3] =	sbarrier.arrive $0xFFFF;
	s2 =	simm.s32 @!p0 $0x1C02  }
0x71: {  	[timem:s3], [sflag:s2] =	dma.local @!p0 [hbm:s0], s1  }
0x72: {  	s0 =	simm.s32 @!p0 $0x2  }
0x73: {  	_ =	swait.ge @!p0 [sflag:s0], s1  }
0x74: {  	s1 =	ssub.s32 @!p0 $0x0, s1;
	[sflag:s0] =	ssyncset.done @!p0 $0x0  }
0x75: {  	[sflag:s0] =	ssyncadd.s32 @!p0 s1  }
0x76: {  	[bflag:$0x3] =	sbarrier.arrive $0xFFFF  }
0x77: {  	_ =	shalt  }

</sc_bundles>
